<compile_context>
chip_gen: v7x
topology: tpu7x:2x2x1
jax: 0.10.2.dev20260603
libtpu: 0.0.44.dev20260713+nightly
codegen_flags: <defaults>
</compile_context>

<pallas_src>
import functools

import numpy as np
import jax
import jax.numpy as jnp
from jax import lax
from jax.experimental import pallas as pl
from jax.experimental.pallas import tpu as pltpu
from jax.experimental.pallas import tpu_sc as plsc

_N = 100000
_D = 32
_B = 16384
_S = 16
_NC, _NS, _L = 2, 16, 16
_NW = _NC * _NS
_BPW = _B // _NW
_CH = 128
_WPT = _BPW * _S
_NGCH = _WPT // _CH

_COLS = np.array([31, 7, 4, 29, 16, 19, 2, 5, 30, 3, 22, 6, 18, 10, 11, 15],
                 dtype=np.int32)

_mesh = plsc.VectorSubcoreMesh(core_axis_name="c", subcore_axis_name="s")


@functools.partial(
    pl.kernel,
    mesh=_mesh,
    out_type=jax.ShapeDtypeStruct((_B * _S,), jnp.uint32),
    scratch_types=[
        pltpu.VMEM((_BPW // _CH, _CH), jnp.int32),
        pltpu.VMEM((_NGCH, _CH), jnp.int32),
        pltpu.VMEM((_WPT,), jnp.uint32),
        pltpu.VMEM((_S,), jnp.int32),
        pltpu.SemaphoreType.DMA,
    ],
    compiler_params=pltpu.CompilerParams(needs_layout_passes=False,
                                         use_tc_tiling_on_sc=True),
)
def _sample_words(adj_hbm, ids_hbm, colbase_hbm, out_hbm,
                  idx_v, gidx_v, out_v, colb_v, sem):
    wid = lax.axis_index("s") * _NC + lax.axis_index("c")

    pltpu.sync_copy(colbase_hbm, colb_v)
    pltpu.sync_copy(ids_hbm.at[pl.ds(wid * (_BPW // _CH), _BPW // _CH)],
                    idx_v)
    cb = colb_v[pl.ds(0, _L)]

    def build_fire(c, carry):
        for t in range(8):
            r = c * 8 + t
            idv = plsc.load_gather(
                idx_v, [jnp.full((_L,), r >> 7, jnp.int32),
                        jnp.full((_L,), r & 127, jnp.int32)])
            gidx_v[c, pl.ds(t * _S, _S)] = cb + idv
        pltpu.async_copy(adj_hbm.at[gidx_v.at[c]],
                         out_v.at[pl.ds(c * _CH, _CH)], sem)
        return carry

    lax.fori_loop(jnp.int32(0), jnp.int32(_NGCH), build_fire, 0)

    def drain(c, carry):
        pltpu.make_async_copy(adj_hbm.at[gidx_v.at[c]],
                              out_v.at[pl.ds(c * _CH, _CH)], sem).wait()
        return carry

    lax.fori_loop(jnp.int32(0), jnp.int32(_NGCH), drain, 0)

    pltpu.sync_copy(out_v, out_hbm.at[pl.ds(wid * _WPT, _WPT)])


def kernel(adj_info, ids, num_samples):
    del num_samples
    adj_flat = adj_info.T.reshape(_N * _D).astype(jnp.uint32)
    ids32 = ids.astype(jnp.int32).reshape(_B // _CH, _CH)
    colbase = jnp.asarray(_COLS * np.int32(_N))
    out32 = _sample_words(adj_flat, ids32, colbase).reshape(_B, _S)
    pairs = jnp.stack([out32, jnp.zeros_like(out32)], axis=-1)
    return lax.bitcast_convert_type(pairs, jnp.int64)

# --- scband reference (transcript-rebuilt; emitter-appended) ---
"""Pipeline reference for scband-uniform-neighbor-sampler-42339787604730 (READ-ONLY COPY).

The authoritative reference and input builder live on the scoring server;
editing this copy changes nothing except your own understanding.
"""

import jax, jax.numpy as jnp
import numpy as np
jax.config.update('jax_enable_x64', True)

N_NODES = 100000
MAX_DEGREE = 32
BATCH = 16384
NUM_SAMPLES = 16

def setup_inputs(seed: int = 0) -> dict:
    key = jax.random.key(seed)
    k1, k2 = jax.random.split(key)
    # adj_info: padded adjacency lists, entries are node ids in [0, N_NODES)
    adj_info = jax.random.randint(k1, (N_NODES, MAX_DEGREE), 0, N_NODES, dtype=jnp.int64)
    ids = jax.random.randint(k2, (BATCH,), 0, N_NODES, dtype=jnp.int64)
    return {"adj_info": adj_info, "ids": ids, "num_samples": NUM_SAMPLES}

def reference(adj_info, ids, num_samples):
    # tf.nn.embedding_lookup(adj_info, ids)
    adj_lists = jnp.take(adj_info, ids, axis=0)  # [B, MAX_DEGREE]
    # tf.transpose(tf.random_shuffle(tf.transpose(adj_lists))):
    # random_shuffle permutes rows of the transposed matrix, i.e. applies a single
    # random permutation to the columns of adj_lists (same perm for every row).
    perm = jax.random.permutation(jax.random.key(42), adj_lists.shape[1])
    adj_lists = adj_lists[:, perm]
    # tf.slice(adj_lists, [0, 0], [-1, num_samples])
    start = num_samples - NUM_SAMPLES
    return jax.lax.dynamic_slice_in_dim(adj_lists, start, NUM_SAMPLES, axis=1)

if __name__ == "__main__":
    import jax
    _d = setup_inputs()
    print(jax.jit(kernel)(*tuple(_d.values())))

</pallas_src>

<mosaic_0001>
#map = affine_map<(d0, d1) -> (0)>
#map1 = affine_map<(d0, d1) -> (0, 0)>
module attributes {stable_mosaic.version = 14 : i64} {
  func.func @_sample_words(%arg0: i32, %arg1: i32, %arg2: memref<3200000xi32, #tpu.memory_space<hbm>>, %arg3: memref<128x128xi32, #tpu.memory_space<hbm>>, %arg4: memref<16xi32, #tpu.memory_space<hbm>>, %arg5: memref<262144xi32, #tpu.memory_space<hbm>>, %arg6: memref<4x128xi32, #tpu.memory_space<vmem>>, %arg7: memref<64x128xi32, #tpu.memory_space<vmem>>, %arg8: memref<8192xi32, #tpu.memory_space<vmem>>, %arg9: memref<16xi32, #tpu.memory_space<vmem>>, %arg10: memref<!tpu.dma_semaphore, #tpu.memory_space<semaphore_mem>>) attributes {dimension_semantics = [#tpu.dimension_semantics<core_parallel>, #tpu.dimension_semantics<subcore_parallel>], iteration_bounds = array<i64: 2, 16>, scalar_prefetch = 0 : i64, scratch_operands = 5 : i64, tpu.core_type = #tpu.core_type<sc_vector_subcore>, window_params = [{transform_indices = #map}, {transform_indices = #map1}, {transform_indices = #map}, {transform_indices = #map}]} {
    %mul3A = arith.constant 2 : i32
    %mul3A_0 = arith.muli %arg1, %mul3A : i32
    %add3A = arith.addi %mul3A_0, %arg0 : i32
    "tpu.region"() ({
      %run_scoped3A = tpu.sem_alloc : memref<!tpu.dma_semaphore, #tpu.memory_space<semaphore_mem>>
      tpu.enqueue_dma source(%arg4 : memref<16xi32, #tpu.memory_space<hbm>>) target(%arg9 : memref<16xi32, #tpu.memory_space<vmem>>) target_semaphore(%run_scoped3A : memref<!tpu.dma_semaphore, #tpu.memory_space<semaphore_mem>>)
      tpu.wait_dma2 semaphore(%run_scoped3A : memref<!tpu.dma_semaphore, #tpu.memory_space<semaphore_mem>>) src(%arg4 : memref<16xi32, #tpu.memory_space<hbm>>) dst(%arg9 : memref<16xi32, #tpu.memory_space<vmem>>)
      tpu.yield
    }) : () -> ()
    %mul3A_1 = arith.constant 4 : i32
    %mul3A_2 = arith.muli %add3A, %mul3A_1 : i32
    "tpu.region"() ({
      %run_scoped3A = tpu.sem_alloc : memref<!tpu.dma_semaphore, #tpu.memory_space<semaphore_mem>>
      %dma_start3A = arith.constant 0 : i32
      %dma_start3A_27 = tpu.memref_slice %arg3[%mul3A_2, %dma_start3A] : memref<128x128xi32, #tpu.memory_space<hbm>> -> memref<4x128xi32, #tpu.memory_space<hbm>>
      %dma_start3A_28 = arith.constant 0 : i32
      %dma_start3A_29 = tpu.memref_slice %arg3[%mul3A_2, %dma_start3A_28] : memref<128x128xi32, #tpu.memory_space<hbm>> -> memref<4x128xi32, #tpu.memory_space<hbm>>
      tpu.enqueue_dma source(%dma_start3A_29 : memref<4x128xi32, #tpu.memory_space<hbm>>) target(%arg6 : memref<4x128xi32, #tpu.memory_space<vmem>>) target_semaphore(%run_scoped3A : memref<!tpu.dma_semaphore, #tpu.memory_space<semaphore_mem>>)
      %dma_wait3A = arith.constant 0 : i32
      %dma_wait3A_30 = tpu.memref_slice %arg3[%mul3A_2, %dma_wait3A] : memref<128x128xi32, #tpu.memory_space<hbm>> -> memref<4x128xi32, #tpu.memory_space<hbm>>
      %dma_wait3A_31 = arith.constant 0 : i32
      %dma_wait3A_32 = tpu.memref_slice %arg3[%mul3A_2, %dma_wait3A_31] : memref<128x128xi32, #tpu.memory_space<hbm>> -> memref<4x128xi32, #tpu.memory_space<hbm>>
      tpu.wait_dma2 semaphore(%run_scoped3A : memref<!tpu.dma_semaphore, #tpu.memory_space<semaphore_mem>>) src(%dma_wait3A_32 : memref<4x128xi32, #tpu.memory_space<hbm>>) dst(%arg6 : memref<4x128xi32, #tpu.memory_space<vmem>>)
      tpu.yield
    }) : () -> ()
    %get3A = arith.constant 0 : index
    %get3A_3 = tpu.vector_load %arg9[%get3A] {strides = array<i32>} : memref<16xi32, #tpu.memory_space<vmem>>, vector<16xi32>,
    %while3A = arith.constant 0 : i64
    %while3A_4 = arith.constant 0 : i32
    %while3A_5 = arith.constant 64 : i32
    %while3A_6 = arith.subi %while3A_5, %while3A_4 : i32
    %while3A_7 = arith.addi %while3A_4, %while3A_6 : i32
    %while3A_8 = arith.constant 1 : i32
    %while3A_9 = arith.divsi %while3A_6, %while3A_8 : i32
    %while3A_10 = arith.muli %while3A_9, %while3A_8 : i32
    %while3A_11 = arith.addi %while3A_4, %while3A_10 : i32
    %while3A_12 = arith.constant 1 : i32
    scf.for %while3A_27 = %while3A_4 to %while3A_11 step %while3A_12  : i32 {
      %mul3A_28 = arith.constant 8 : i32
      %mul3A_29 = arith.muli %while3A_27, %mul3A_28 : i32
      %add3A_30 = arith.constant 0 : i32
      %add3A_31 = arith.addi %mul3A_29, %add3A_30 : i32
      %shift_right_arithmetic3A = arith.constant 7 : i32
      %shift_right_arithmetic3A_32 = arith.shrsi %add3A_31, %shift_right_arithmetic3A : i32
      %broadcast_in_dim3A = vector.broadcast %shift_right_arithmetic3A_32 : i32 to vector<16xi32>
      %and3A = arith.constant 127 : i32
      %and3A_33 = arith.andi %add3A_31, %and3A : i32
      %broadcast_in_dim3A_34 = vector.broadcast %and3A_33 : i32 to vector<16xi32>
      %gather3A = tpu.vector_load_idx %arg6[%broadcast_in_dim3A, %broadcast_in_dim3A_34] : memref<4x128xi32, #tpu.memory_space<vmem>>[vector<16xi32>, vector<16xi32>], vector<16xi32>,
      %add3A_35 = arith.addi %get3A_3, %gather3A : vector<16xi32>
      %swap3A = arith.index_cast %while3A_27 : i32 to index
      %swap3A_36 = arith.constant 0 : index
      %swap3A_37 = tpu.vector_load %arg7[%swap3A, %swap3A_36] {strides = array<i32>} : memref<64x128xi32, #tpu.memory_space<vmem>>, vector<16xi32>,
      tpu.vector_store %arg7[%swap3A, %swap3A_36], %add3A_35 {strides = array<i32>} : memref<64x128xi32, #tpu.memory_space<vmem>>, vector<16xi32>,
      %mul3A_38 = arith.constant 8 : i32
      %mul3A_39 = arith.muli %while3A_27, %mul3A_38 : i32
      %add3A_40 = arith.constant 1 : i32
      %add3A_41 = arith.addi %mul3A_39, %add3A_40 : i32
      %shift_right_arithmetic3A_42 = arith.constant 7 : i32
      %shift_right_arithmetic3A_43 = arith.shrsi %add3A_41, %shift_right_arithmetic3A_42 : i32
      %broadcast_in_dim3A_44 = vector.broadcast %shift_right_arithmetic3A_43 : i32 to vector<16xi32>
      %and3A_45 = arith.constant 127 : i32
      %and3A_46 = arith.andi %add3A_41, %and3A_45 : i32
      %broadcast_in_dim3A_47 = vector.broadcast %and3A_46 : i32 to vector<16xi32>
      %gather3A_48 = tpu.vector_load_idx %arg6[%broadcast_in_dim3A_44, %broadcast_in_dim3A_47] : memref<4x128xi32, #tpu.memory_space<vmem>>[vector<16xi32>, vector<16xi32>], vector<16xi32>,
      %add3A_49 = arith.addi %get3A_3, %gather3A_48 : vector<16xi32>
      %swap3A_50 = arith.index_cast %while3A_27 : i32 to index
      %swap3A_51 = arith.constant 16 : index
      %swap3A_52 = tpu.vector_load %arg7[%swap3A_50, %swap3A_51] {strides = array<i32>} : memref<64x128xi32, #tpu.memory_space<vmem>>, vector<16xi32>,
      tpu.vector_store %arg7[%swap3A_50, %swap3A_51], %add3A_49 {strides = array<i32>} : memref<64x128xi32, #tpu.memory_space<vmem>>, vector<16xi32>,
      %mul3A_53 = arith.constant 8 : i32
      %mul3A_54 = arith.muli %while3A_27, %mul3A_53 : i32
      %add3A_55 = arith.constant 2 : i32
      %add3A_56 = arith.addi %mul3A_54, %add3A_55 : i32
      %shift_right_arithmetic3A_57 = arith.constant 7 : i32
      %shift_right_arithmetic3A_58 = arith.shrsi %add3A_56, %shift_right_arithmetic3A_57 : i32
      %broadcast_in_dim3A_59 = vector.broadcast %shift_right_arithmetic3A_58 : i32 to vector<16xi32>
      %and3A_60 = arith.constant 127 : i32
      %and3A_61 = arith.andi %add3A_56, %and3A_60 : i32
      %broadcast_in_dim3A_62 = vector.broadcast %and3A_61 : i32 to vector<16xi32>
      %gather3A_63 = tpu.vector_load_idx %arg6[%broadcast_in_dim3A_59, %broadcast_in_dim3A_62] : memref<4x128xi32, #tpu.memory_space<vmem>>[vector<16xi32>, vector<16xi32>], vector<16xi32>,
      %add3A_64 = arith.addi %get3A_3, %gather3A_63 : vector<16xi32>
      %swap3A_65 = arith.index_cast %while3A_27 : i32 to index
      %swap3A_66 = arith.constant 32 : index
      %swap3A_67 = tpu.vector_load %arg7[%swap3A_65, %swap3A_66] {strides = array<i32>} : memref<64x128xi32, #tpu.memory_space<vmem>>, vector<16xi32>,
      tpu.vector_store %arg7[%swap3A_65, %swap3A_66], %add3A_64 {strides = array<i32>} : memref<64x128xi32, #tpu.memory_space<vmem>>, vector<16xi32>,
      %mul3A_68 = arith.constant 8 : i32
      %mul3A_69 = arith.muli %while3A_27, %mul3A_68 : i32
      %add3A_70 = arith.constant 3 : i32
      %add3A_71 = arith.addi %mul3A_69, %add3A_70 : i32
      %shift_right_arithmetic3A_72 = arith.constant 7 : i32
      %shift_right_arithmetic3A_73 = arith.shrsi %add3A_71, %shift_right_arithmetic3A_72 : i32
      %broadcast_in_dim3A_74 = vector.broadcast %shift_right_arithmetic3A_73 : i32 to vector<16xi32>
      %and3A_75 = arith.constant 127 : i32
      %and3A_76 = arith.andi %add3A_71, %and3A_75 : i32
      %broadcast_in_dim3A_77 = vector.broadcast %and3A_76 : i32 to vector<16xi32>
      %gather3A_78 = tpu.vector_load_idx %arg6[%broadcast_in_dim3A_74, %broadcast_in_dim3A_77] : memref<4x128xi32, #tpu.memory_space<vmem>>[vector<16xi32>, vector<16xi32>], vector<16xi32>,
      %add3A_79 = arith.addi %get3A_3, %gather3A_78 : vector<16xi32>
      %swap3A_80 = arith.index_cast %while3A_27 : i32 to index
      %swap3A_81 = arith.constant 48 : index
      %swap3A_82 = tpu.vector_load %arg7[%swap3A_80, %swap3A_81] {strides = array<i32>} : memref<64x128xi32, #tpu.memory_space<vmem>>, vector<16xi32>,
      tpu.vector_store %arg7[%swap3A_80, %swap3A_81], %add3A_79 {strides = array<i32>} : memref<64x128xi32, #tpu.memory_space<vmem>>, vector<16xi32>,
      %mul3A_83 = arith.constant 8 : i32
      %mul3A_84 = arith.muli %while3A_27, %mul3A_83 : i32
      %add3A_85 = arith.constant 4 : i32
      %add3A_86 = arith.addi %mul3A_84, %add3A_85 : i32
      %shift_right_arithmetic3A_87 = arith.constant 7 : i32
      %shift_right_arithmetic3A_88 = arith.shrsi %add3A_86, %shift_right_arithmetic3A_87 : i32
      %broadcast_in_dim3A_89 = vector.broadcast %shift_right_arithmetic3A_88 : i32 to vector<16xi32>
      %and3A_90 = arith.constant 127 : i32
      %and3A_91 = arith.andi %add3A_86, %and3A_90 : i32
      %broadcast_in_dim3A_92 = vector.broadcast %and3A_91 : i32 to vector<16xi32>
      %gather3A_93 = tpu.vector_load_idx %arg6[%broadcast_in_dim3A_89, %broadcast_in_dim3A_92] : memref<4x128xi32, #tpu.memory_space<vmem>>[vector<16xi32>, vector<16xi32>], vector<16xi32>,
      %add3A_94 = arith.addi %get3A_3, %gather3A_93 : vector<16xi32>
      %swap3A_95 = arith.index_cast %while3A_27 : i32 to index
      %swap3A_96 = arith.constant 64 : index
      %swap3A_97 = tpu.vector_load %arg7[%swap3A_95, %swap3A_96] {strides = array<i32>} : memref<64x128xi32, #tpu.memory_space<vmem>>, vector<16xi32>,
      tpu.vector_store %arg7[%swap3A_95, %swap3A_96], %add3A_94 {strides = array<i32>} : memref<64x128xi32, #tpu.memory_space<vmem>>, vector<16xi32>,
      %mul3A_98 = arith.constant 8 : i32
      %mul3A_99 = arith.muli %while3A_27, %mul3A_98 : i32
      %add3A_100 = arith.constant 5 : i32
      %add3A_101 = arith.addi %mul3A_99, %add3A_100 : i32
      %shift_right_arithmetic3A_102 = arith.constant 7 : i32
      %shift_right_arithmetic3A_103 = arith.shrsi %add3A_101, %shift_right_arithmetic3A_102 : i32
      %broadcast_in_dim3A_104 = vector.broadcast %shift_right_arithmetic3A_103 : i32 to vector<16xi32>
      %and3A_105 = arith.constant 127 : i32
      %and3A_106 = arith.andi %add3A_101, %and3A_105 : i32
      %broadcast_in_dim3A_107 = vector.broadcast %and3A_106 : i32 to vector<16xi32>
      %gather3A_108 = tpu.vector_load_idx %arg6[%broadcast_in_dim3A_104, %broadcast_in_dim3A_107] : memref<4x128xi32, #tpu.memory_space<vmem>>[vector<16xi32>, vector<16xi32>], vector<16xi32>,
      %add3A_109 = arith.addi %get3A_3, %gather3A_108 : vector<16xi32>
      %swap3A_110 = arith.index_cast %while3A_27 : i32 to index
      %swap3A_111 = arith.constant 80 : index
      %swap3A_112 = tpu.vector_load %arg7[%swap3A_110, %swap3A_111] {strides = array<i32>} : memref<64x128xi32, #tpu.memory_space<vmem>>, vector<16xi32>,
      tpu.vector_store %arg7[%swap3A_110, %swap3A_111], %add3A_109 {strides = array<i32>} : memref<64x128xi32, #tpu.memory_space<vmem>>, vector<16xi32>,
      %mul3A_113 = arith.constant 8 : i32
      %mul3A_114 = arith.muli %while3A_27, %mul3A_113 : i32
      %add3A_115 = arith.constant 6 : i32
      %add3A_116 = arith.addi %mul3A_114, %add3A_115 : i32
      %shift_right_arithmetic3A_117 = arith.constant 7 : i32
      %shift_right_arithmetic3A_118 = arith.shrsi %add3A_116, %shift_right_arithmetic3A_117 : i32
      %broadcast_in_dim3A_119 = vector.broadcast %shift_right_arithmetic3A_118 : i32 to vector<16xi32>
      %and3A_120 = arith.constant 127 : i32
      %and3A_121 = arith.andi %add3A_116, %and3A_120 : i32
      %broadcast_in_dim3A_122 = vector.broadcast %and3A_121 : i32 to vector<16xi32>
      %gather3A_123 = tpu.vector_load_idx %arg6[%broadcast_in_dim3A_119, %broadcast_in_dim3A_122] : memref<4x128xi32, #tpu.memory_space<vmem>>[vector<16xi32>, vector<16xi32>], vector<16xi32>,
      %add3A_124 = arith.addi %get3A_3, %gather3A_123 : vector<16xi32>
      %swap3A_125 = arith.index_cast %while3A_27 : i32 to index
      %swap3A_126 = arith.constant 96 : index
      %swap3A_127 = tpu.vector_load %arg7[%swap3A_125, %swap3A_126] {strides = array<i32>} : memref<64x128xi32, #tpu.memory_space<vmem>>, vector<16xi32>,
      tpu.vector_store %arg7[%swap3A_125, %swap3A_126], %add3A_124 {strides = array<i32>} : memref<64x128xi32, #tpu.memory_space<vmem>>, vector<16xi32>,
      %mul3A_128 = arith.constant 8 : i32
      %mul3A_129 = arith.muli %while3A_27, %mul3A_128 : i32
      %add3A_130 = arith.constant 7 : i32
      %add3A_131 = arith.addi %mul3A_129, %add3A_130 : i32
      %shift_right_arithmetic3A_132 = arith.constant 7 : i32
      %shift_right_arithmetic3A_133 = arith.shrsi %add3A_131, %shift_right_arithmetic3A_132 : i32
      %broadcast_in_dim3A_134 = vector.broadcast %shift_right_arithmetic3A_133 : i32 to vector<16xi32>
      %and3A_135 = arith.constant 127 : i32
      %and3A_136 = arith.andi %add3A_131, %and3A_135 : i32
      %broadcast_in_dim3A_137 = vector.broadcast %and3A_136 : i32 to vector<16xi32>
      %gather3A_138 = tpu.vector_load_idx %arg6[%broadcast_in_dim3A_134, %broadcast_in_dim3A_137] : memref<4x128xi32, #tpu.memory_space<vmem>>[vector<16xi32>, vector<16xi32>], vector<16xi32>,
      %add3A_139 = arith.addi %get3A_3, %gather3A_138 : vector<16xi32>
      %swap3A_140 = arith.index_cast %while3A_27 : i32 to index
      %swap3A_141 = arith.constant 112 : index
      %swap3A_142 = tpu.vector_load %arg7[%swap3A_140, %swap3A_141] {strides = array<i32>} : memref<64x128xi32, #tpu.memory_space<vmem>>, vector<16xi32>,
      tpu.vector_store %arg7[%swap3A_140, %swap3A_141], %add3A_139 {strides = array<i32>} : memref<64x128xi32, #tpu.memory_space<vmem>>, vector<16xi32>,
      %mul3A_143 = arith.constant 128 : i32
      %mul3A_144 = arith.muli %while3A_27, %mul3A_143 : i32
      %dma_start3A = tpu.memref_slice %arg8[%mul3A_144] : memref<8192xi32, #tpu.memory_space<vmem>> -> memref<128xi32, #tpu.memory_space<vmem>>
      %dma_start3A_145 = arith.constant 0 : i32
      %dma_start3A_146 = tpu.memref_slice %arg7[%while3A_27, %dma_start3A_145] : memref<64x128xi32, #tpu.memory_space<vmem>> -> memref<1x128xi32, #tpu.memory_space<vmem>>
      %dma_start3A_147 = tpu.memref_squeeze %dma_start3A_146 : memref<1x128xi32, #tpu.memory_space<vmem>> -> memref<128xi32, #tpu.memory_space<vmem>>
      %dma_start3A_148 = arith.constant 0 : i32
      %dma_start3A_149 = tpu.memref_slice %arg2[%dma_start3A_148] : memref<3200000xi32, #tpu.memory_space<hbm>> -> memref<3200000xi32, #tpu.memory_space<hbm>>
      tpu.enqueue_indirect_dma source(%dma_start3A_149 : memref<3200000xi32, #tpu.memory_space<hbm>>) target(%dma_start3A : memref<128xi32, #tpu.memory_space<vmem>>) offsets(%dma_start3A_147 : memref<128xi32, #tpu.memory_space<vmem>>) semaphore(%arg10 : memref<!tpu.dma_semaphore, #tpu.memory_space<semaphore_mem>>)
    }
    %while3A_13 = arith.constant 1 : i32
    scf.for %while3A_27 = %while3A_11 to %while3A_7 step %while3A_13  : i32 {
      %mul3A_28 = arith.constant 8 : i32
      %mul3A_29 = arith.muli %while3A_27, %mul3A_28 : i32
      %add3A_30 = arith.constant 0 : i32
      %add3A_31 = arith.addi %mul3A_29, %add3A_30 : i32
      %shift_right_arithmetic3A = arith.constant 7 : i32
      %shift_right_arithmetic3A_32 = arith.shrsi %add3A_31, %shift_right_arithmetic3A : i32
      %broadcast_in_dim3A = vector.broadcast %shift_right_arithmetic3A_32 : i32 to vector<16xi32>
      %and3A = arith.constant 127 : i32
      %and3A_33 = arith.andi %add3A_31, %and3A : i32
      %broadcast_in_dim3A_34 = vector.broadcast %and3A_33 : i32 to vector<16xi32>
      %gather3A = tpu.vector_load_idx %arg6[%broadcast_in_dim3A, %broadcast_in_dim3A_34] : memref<4x128xi32, #tpu.memory_space<vmem>>[vector<16xi32>, vector<16xi32>], vector<16xi32>,
      %add3A_35 = arith.addi %get3A_3, %gather3A : vector<16xi32>
      %swap3A = arith.index_cast %while3A_27 : i32 to index
      %swap3A_36 = arith.constant 0 : index
      %swap3A_37 = tpu.vector_load %arg7[%swap3A, %swap3A_36] {strides = array<i32>} : memref<64x128xi32, #tpu.memory_space<vmem>>, vector<16xi32>,
      tpu.vector_store %arg7[%swap3A, %swap3A_36], %add3A_35 {strides = array<i32>} : memref<64x128xi32, #tpu.memory_space<vmem>>, vector<16xi32>,
      %mul3A_38 = arith.constant 8 : i32
      %mul3A_39 = arith.muli %while3A_27, %mul3A_38 : i32
      %add3A_40 = arith.constant 1 : i32
      %add3A_41 = arith.addi %mul3A_39, %add3A_40 : i32
      %shift_right_arithmetic3A_42 = arith.constant 7 : i32
      %shift_right_arithmetic3A_43 = arith.shrsi %add3A_41, %shift_right_arithmetic3A_42 : i32
      %broadcast_in_dim3A_44 = vector.broadcast %shift_right_arithmetic3A_43 : i32 to vector<16xi32>
      %and3A_45 = arith.constant 127 : i32
      %and3A_46 = arith.andi %add3A_41, %and3A_45 : i32
      %broadcast_in_dim3A_47 = vector.broadcast %and3A_46 : i32 to vector<16xi32>
      %gather3A_48 = tpu.vector_load_idx %arg6[%broadcast_in_dim3A_44, %broadcast_in_dim3A_47] : memref<4x128xi32, #tpu.memory_space<vmem>>[vector<16xi32>, vector<16xi32>], vector<16xi32>,
      %add3A_49 = arith.addi %get3A_3, %gather3A_48 : vector<16xi32>
      %swap3A_50 = arith.index_cast %while3A_27 : i32 to index
      %swap3A_51 = arith.constant 16 : index
      %swap3A_52 = tpu.vector_load %arg7[%swap3A_50, %swap3A_51] {strides = array<i32>} : memref<64x128xi32, #tpu.memory_space<vmem>>, vector<16xi32>,
      tpu.vector_store %arg7[%swap3A_50, %swap3A_51], %add3A_49 {strides = array<i32>} : memref<64x128xi32, #tpu.memory_space<vmem>>, vector<16xi32>,
      %mul3A_53 = arith.constant 8 : i32
      %mul3A_54 = arith.muli %while3A_27, %mul3A_53 : i32
      %add3A_55 = arith.constant 2 : i32
      %add3A_56 = arith.addi %mul3A_54, %add3A_55 : i32
      %shift_right_arithmetic3A_57 = arith.constant 7 : i32
      %shift_right_arithmetic3A_58 = arith.shrsi %add3A_56, %shift_right_arithmetic3A_57 : i32
      %broadcast_in_dim3A_59 = vector.broadcast %shift_right_arithmetic3A_58 : i32 to vector<16xi32>
      %and3A_60 = arith.constant 127 : i32
      %and3A_61 = arith.andi %add3A_56, %and3A_60 : i32
      %broadcast_in_dim3A_62 = vector.broadcast %and3A_61 : i32 to vector<16xi32>
      %gather3A_63 = tpu.vector_load_idx %arg6[%broadcast_in_dim3A_59, %broadcast_in_dim3A_62] : memref<4x128xi32, #tpu.memory_space<vmem>>[vector<16xi32>, vector<16xi32>], vector<16xi32>,
      %add3A_64 = arith.addi %get3A_3, %gather3A_63 : vector<16xi32>
      %swap3A_65 = arith.index_cast %while3A_27 : i32 to index
      %swap3A_66 = arith.constant 32 : index
      %swap3A_67 = tpu.vector_load %arg7[%swap3A_65, %swap3A_66] {strides = array<i32>} : memref<64x128xi32, #tpu.memory_space<vmem>>, vector<16xi32>,
      tpu.vector_store %arg7[%swap3A_65, %swap3A_66], %add3A_64 {strides = array<i32>} : memref<64x128xi32, #tpu.memory_space<vmem>>, vector<16xi32>,
      %mul3A_68 = arith.constant 8 : i32
      %mul3A_69 = arith.muli %while3A_27, %mul3A_68 : i32
      %add3A_70 = arith.constant 3 : i32
      %add3A_71 = arith.addi %mul3A_69, %add3A_70 : i32
      %shift_right_arithmetic3A_72 = arith.constant 7 : i32
      %shift_right_arithmetic3A_73 = arith.shrsi %add3A_71, %shift_right_arithmetic3A_72 : i32
      %broadcast_in_dim3A_74 = vector.broadcast %shift_right_arithmetic3A_73 : i32 to vector<16xi32>
      %and3A_75 = arith.constant 127 : i32
      %and3A_76 = arith.andi %add3A_71, %and3A_75 : i32
      %broadcast_in_dim3A_77 = vector.broadcast %and3A_76 : i32 to vector<16xi32>
      %gather3A_78 = tpu.vector_load_idx %arg6[%broadcast_in_dim3A_74, %broadcast_in_dim3A_77] : memref<4x128xi32, #tpu.memory_space<vmem>>[vector<16xi32>, vector<16xi32>], vector<16xi32>,
      %add3A_79 = arith.addi %get3A_3, %gather3A_78 : vector<16xi32>
      %swap3A_80 = arith.index_cast %while3A_27 : i32 to index
      %swap3A_81 = arith.constant 48 : index
      %swap3A_82 = tpu.vector_load %arg7[%swap3A_80, %swap3A_81] {strides = array<i32>} : memref<64x128xi32, #tpu.memory_space<vmem>>, vector<16xi32>,
      tpu.vector_store %arg7[%swap3A_80, %swap3A_81], %add3A_79 {strides = array<i32>} : memref<64x128xi32, #tpu.memory_space<vmem>>, vector<16xi32>,
      %mul3A_83 = arith.constant 8 : i32
      %mul3A_84 = arith.muli %while3A_27, %mul3A_83 : i32
      %add3A_85 = arith.constant 4 : i32
      %add3A_86 = arith.addi %mul3A_84, %add3A_85 : i32
      %shift_right_arithmetic3A_87 = arith.constant 7 : i32
      %shift_right_arithmetic3A_88 = arith.shrsi %add3A_86, %shift_right_arithmetic3A_87 : i32
      %broadcast_in_dim3A_89 = vector.broadcast %shift_right_arithmetic3A_88 : i32 to vector<16xi32>
      %and3A_90 = arith.constant 127 : i32
      %and3A_91 = arith.andi %add3A_86, %and3A_90 : i32
      %broadcast_in_dim3A_92 = vector.broadcast %and3A_91 : i32 to vector<16xi32>
      %gather3A_93 = tpu.vector_load_idx %arg6[%broadcast_in_dim3A_89, %broadcast_in_dim3A_92] : memref<4x128xi32, #tpu.memory_space<vmem>>[vector<16xi32>, vector<16xi32>], vector<16xi32>,
      %add3A_94 = arith.addi %get3A_3, %gather3A_93 : vector<16xi32>
      %swap3A_95 = arith.index_cast %while3A_27 : i32 to index
      %swap3A_96 = arith.constant 64 : index
      %swap3A_97 = tpu.vector_load %arg7[%swap3A_95, %swap3A_96] {strides = array<i32>} : memref<64x128xi32, #tpu.memory_space<vmem>>, vector<16xi32>,
      tpu.vector_store %arg7[%swap3A_95, %swap3A_96], %add3A_94 {strides = array<i32>} : memref<64x128xi32, #tpu.memory_space<vmem>>, vector<16xi32>,
      %mul3A_98 = arith.constant 8 : i32
      %mul3A_99 = arith.muli %while3A_27, %mul3A_98 : i32
      %add3A_100 = arith.constant 5 : i32
      %add3A_101 = arith.addi %mul3A_99, %add3A_100 : i32
      %shift_right_arithmetic3A_102 = arith.constant 7 : i32
      %shift_right_arithmetic3A_103 = arith.shrsi %add3A_101, %shift_right_arithmetic3A_102 : i32
      %broadcast_in_dim3A_104 = vector.broadcast %shift_right_arithmetic3A_103 : i32 to vector<16xi32>
      %and3A_105 = arith.constant 127 : i32
      %and3A_106 = arith.andi %add3A_101, %and3A_105 : i32
      %broadcast_in_dim3A_107 = vector.broadcast %and3A_106 : i32 to vector<16xi32>
      %gather3A_108 = tpu.vector_load_idx %arg6[%broadcast_in_dim3A_104, %broadcast_in_dim3A_107] : memref<4x128xi32, #tpu.memory_space<vmem>>[vector<16xi32>, vector<16xi32>], vector<16xi32>,
      %add3A_109 = arith.addi %get3A_3, %gather3A_108 : vector<16xi32>
      %swap3A_110 = arith.index_cast %while3A_27 : i32 to index
      %swap3A_111 = arith.constant 80 : index
      %swap3A_112 = tpu.vector_load %arg7[%swap3A_110, %swap3A_111] {strides = array<i32>} : memref<64x128xi32, #tpu.memory_space<vmem>>, vector<16xi32>,
      tpu.vector_store %arg7[%swap3A_110, %swap3A_111], %add3A_109 {strides = array<i32>} : memref<64x128xi32, #tpu.memory_space<vmem>>, vector<16xi32>,
      %mul3A_113 = arith.constant 8 : i32
      %mul3A_114 = arith.muli %while3A_27, %mul3A_113 : i32
      %add3A_115 = arith.constant 6 : i32
      %add3A_116 = arith.addi %mul3A_114, %add3A_115 : i32
      %shift_right_arithmetic3A_117 = arith.constant 7 : i32
      %shift_right_arithmetic3A_118 = arith.shrsi %add3A_116, %shift_right_arithmetic3A_117 : i32
      %broadcast_in_dim3A_119 = vector.broadcast %shift_right_arithmetic3A_118 : i32 to vector<16xi32>
      %and3A_120 = arith.constant 127 : i32
      %and3A_121 = arith.andi %add3A_116, %and3A_120 : i32
      %broadcast_in_dim3A_122 = vector.broadcast %and3A_121 : i32 to vector<16xi32>
      %gather3A_123 = tpu.vector_load_idx %arg6[%broadcast_in_dim3A_119, %broadcast_in_dim3A_122] : memref<4x128xi32, #tpu.memory_space<vmem>>[vector<16xi32>, vector<16xi32>], vector<16xi32>,
      %add3A_124 = arith.addi %get3A_3, %gather3A_123 : vector<16xi32>
      %swap3A_125 = arith.index_cast %while3A_27 : i32 to index
      %swap3A_126 = arith.constant 96 : index
      %swap3A_127 = tpu.vector_load %arg7[%swap3A_125, %swap3A_126] {strides = array<i32>} : memref<64x128xi32, #tpu.memory_space<vmem>>, vector<16xi32>,
      tpu.vector_store %arg7[%swap3A_125, %swap3A_126], %add3A_124 {strides = array<i32>} : memref<64x128xi32, #tpu.memory_space<vmem>>, vector<16xi32>,
      %mul3A_128 = arith.constant 8 : i32
      %mul3A_129 = arith.muli %while3A_27, %mul3A_128 : i32
      %add3A_130 = arith.constant 7 : i32
      %add3A_131 = arith.addi %mul3A_129, %add3A_130 : i32
      %shift_right_arithmetic3A_132 = arith.constant 7 : i32
      %shift_right_arithmetic3A_133 = arith.shrsi %add3A_131, %shift_right_arithmetic3A_132 : i32
      %broadcast_in_dim3A_134 = vector.broadcast %shift_right_arithmetic3A_133 : i32 to vector<16xi32>
      %and3A_135 = arith.constant 127 : i32
      %and3A_136 = arith.andi %add3A_131, %and3A_135 : i32
      %broadcast_in_dim3A_137 = vector.broadcast %and3A_136 : i32 to vector<16xi32>
      %gather3A_138 = tpu.vector_load_idx %arg6[%broadcast_in_dim3A_134, %broadcast_in_dim3A_137] : memref<4x128xi32, #tpu.memory_space<vmem>>[vector<16xi32>, vector<16xi32>], vector<16xi32>,
      %add3A_139 = arith.addi %get3A_3, %gather3A_138 : vector<16xi32>
      %swap3A_140 = arith.index_cast %while3A_27 : i32 to index
      %swap3A_141 = arith.constant 112 : index
      %swap3A_142 = tpu.vector_load %arg7[%swap3A_140, %swap3A_141] {strides = array<i32>} : memref<64x128xi32, #tpu.memory_space<vmem>>, vector<16xi32>,
      tpu.vector_store %arg7[%swap3A_140, %swap3A_141], %add3A_139 {strides = array<i32>} : memref<64x128xi32, #tpu.memory_space<vmem>>, vector<16xi32>,
      %mul3A_143 = arith.constant 128 : i32
      %mul3A_144 = arith.muli %while3A_27, %mul3A_143 : i32
      %dma_start3A = tpu.memref_slice %arg8[%mul3A_144] : memref<8192xi32, #tpu.memory_space<vmem>> -> memref<128xi32, #tpu.memory_space<vmem>>
      %dma_start3A_145 = arith.constant 0 : i32
      %dma_start3A_146 = tpu.memref_slice %arg7[%while3A_27, %dma_start3A_145] : memref<64x128xi32, #tpu.memory_space<vmem>> -> memref<1x128xi32, #tpu.memory_space<vmem>>
      %dma_start3A_147 = tpu.memref_squeeze %dma_start3A_146 : memref<1x128xi32, #tpu.memory_space<vmem>> -> memref<128xi32, #tpu.memory_space<vmem>>
      %dma_start3A_148 = arith.constant 0 : i32
      %dma_start3A_149 = tpu.memref_slice %arg2[%dma_start3A_148] : memref<3200000xi32, #tpu.memory_space<hbm>> -> memref<3200000xi32, #tpu.memory_space<hbm>>
      tpu.enqueue_indirect_dma source(%dma_start3A_149 : memref<3200000xi32, #tpu.memory_space<hbm>>) target(%dma_start3A : memref<128xi32, #tpu.memory_space<vmem>>) offsets(%dma_start3A_147 : memref<128xi32, #tpu.memory_space<vmem>>) semaphore(%arg10 : memref<!tpu.dma_semaphore, #tpu.memory_space<semaphore_mem>>)
    }
    %while3A_14 = arith.constant 0 : i64
    %while3A_15 = arith.constant 0 : i32
    %while3A_16 = arith.constant 64 : i32
    %while3A_17 = arith.subi %while3A_16, %while3A_15 : i32
    %while3A_18 = arith.addi %while3A_15, %while3A_17 : i32
    %while3A_19 = arith.constant 1 : i32
    %while3A_20 = arith.divsi %while3A_17, %while3A_19 : i32
    %while3A_21 = arith.muli %while3A_20, %while3A_19 : i32
    %while3A_22 = arith.addi %while3A_15, %while3A_21 : i32
    %while3A_23 = arith.constant 1 : i32
    scf.for %while3A_27 = %while3A_15 to %while3A_22 step %while3A_23  : i32 {
      %mul3A_28 = arith.constant 128 : i32
      %mul3A_29 = arith.muli %while3A_27, %mul3A_28 : i32
      %dma_wait3A = tpu.memref_slice %arg8[%mul3A_29] : memref<8192xi32, #tpu.memory_space<vmem>> -> memref<128xi32, #tpu.memory_space<vmem>>
      %dma_wait3A_30 = arith.constant 0 : i32
      %dma_wait3A_31 = tpu.memref_slice %arg7[%while3A_27, %dma_wait3A_30] : memref<64x128xi32, #tpu.memory_space<vmem>> -> memref<1x128xi32, #tpu.memory_space<vmem>>
      %dma_wait3A_32 = tpu.memref_squeeze %dma_wait3A_31 : memref<1x128xi32, #tpu.memory_space<vmem>> -> memref<128xi32, #tpu.memory_space<vmem>>
      %dma_wait3A_33 = arith.constant 0 : i32
      %dma_wait3A_34 = tpu.memref_slice %arg2[%dma_wait3A_33] : memref<3200000xi32, #tpu.memory_space<hbm>> -> memref<3200000xi32, #tpu.memory_space<hbm>>
      tpu.wait_indirect_dma semaphore(%arg10 : memref<!tpu.dma_semaphore, #tpu.memory_space<semaphore_mem>>) src(%dma_wait3A_34 : memref<3200000xi32, #tpu.memory_space<hbm>>) dst(%dma_wait3A : memref<128xi32, #tpu.memory_space<vmem>>)
    }
    %while3A_24 = arith.constant 1 : i32
    scf.for %while3A_27 = %while3A_22 to %while3A_18 step %while3A_24  : i32 {
      %mul3A_28 = arith.constant 128 : i32
      %mul3A_29 = arith.muli %while3A_27, %mul3A_28 : i32
      %dma_wait3A = tpu.memref_slice %arg8[%mul3A_29] : memref<8192xi32, #tpu.memory_space<vmem>> -> memref<128xi32, #tpu.memory_space<vmem>>
      %dma_wait3A_30 = arith.constant 0 : i32
      %dma_wait3A_31 = tpu.memref_slice %arg7[%while3A_27, %dma_wait3A_30] : memref<64x128xi32, #tpu.memory_space<vmem>> -> memref<1x128xi32, #tpu.memory_space<vmem>>
      %dma_wait3A_32 = tpu.memref_squeeze %dma_wait3A_31 : memref<1x128xi32, #tpu.memory_space<vmem>> -> memref<128xi32, #tpu.memory_space<vmem>>
      %dma_wait3A_33 = arith.constant 0 : i32
      %dma_wait3A_34 = tpu.memref_slice %arg2[%dma_wait3A_33] : memref<3200000xi32, #tpu.memory_space<hbm>> -> memref<3200000xi32, #tpu.memory_space<hbm>>
      tpu.wait_indirect_dma semaphore(%arg10 : memref<!tpu.dma_semaphore, #tpu.memory_space<semaphore_mem>>) src(%dma_wait3A_34 : memref<3200000xi32, #tpu.memory_space<hbm>>) dst(%dma_wait3A : memref<128xi32, #tpu.memory_space<vmem>>)
    }
    %mul3A_25 = arith.constant 8192 : i32
    %mul3A_26 = arith.muli %add3A, %mul3A_25 : i32
    "tpu.region"() ({
      %run_scoped3A = tpu.sem_alloc : memref<!tpu.dma_semaphore, #tpu.memory_space<semaphore_mem>>
      %dma_start3A = tpu.memref_slice %arg5[%mul3A_26] : memref<262144xi32, #tpu.memory_space<hbm>> -> memref<8192xi32, #tpu.memory_space<hbm>>
      %dma_start3A_27 = tpu.memref_slice %arg5[%mul3A_26] : memref<262144xi32, #tpu.memory_space<hbm>> -> memref<8192xi32, #tpu.memory_space<hbm>>
      tpu.enqueue_dma source(%arg8 : memref<8192xi32, #tpu.memory_space<vmem>>) target(%dma_start3A_27 : memref<8192xi32, #tpu.memory_space<hbm>>) target_semaphore(%run_scoped3A : memref<!tpu.dma_semaphore, #tpu.memory_space<semaphore_mem>>)
      %dma_wait3A = tpu.memref_slice %arg5[%mul3A_26] : memref<262144xi32, #tpu.memory_space<hbm>> -> memref<8192xi32, #tpu.memory_space<hbm>>
      %dma_wait3A_28 = tpu.memref_slice %arg5[%mul3A_26] : memref<262144xi32, #tpu.memory_space<hbm>> -> memref<8192xi32, #tpu.memory_space<hbm>>
      tpu.wait_dma2 semaphore(%run_scoped3A : memref<!tpu.dma_semaphore, #tpu.memory_space<semaphore_mem>>) src(%arg8 : memref<8192xi32, #tpu.memory_space<vmem>>) dst(%dma_wait3A_28 : memref<8192xi32, #tpu.memory_space<hbm>>)
      tpu.yield
    }) : () -> ()
    return
  }
}

</mosaic_0001>

<sc_bundles>
// kernel: kernel.3.cloned.1.call-start
scs
__scs_entry_jumppad:
0x0: {  	(pc) =	sbr.rel $0x88, $3  }
0x1: {  	(tag) =	ssettag $0x0;
	lr =	simm.s32 $0x1  }
0x2: {  	[smem:$0x3F9F] =	sst lr;
	_ =	strace $0xD0000000  }
0x3: {  	_ = 	snop  }
0x4: {  	_ = 	snop  }
0x5: {  	_ = 	snop  }
0x6: {  	_ = 	snop  }
0x7: {  	_ = 	snop  }
__scs_overlays_trampoline_lowered:
0x8: {  	[smem:$0x3FAE] =	sst s0  }
0x9: {  	[smem:$0x3FAF] =	sst s1  }
0xa: {  	[smem:$0x3FB0] =	sst s2  }
0xb: {  	[smem:$0x3FB1] =	sst s3  }
0xc: {  	[smem:$0x3FB2] =	sst s4  }
0xd: {  	[smem:$0x3FB3] =	sst s5  }
0xe: {  	[smem:$0x3FB4] =	sst s6  }
0xf: {  	[smem:$0x3FB5] =	sst s7  }
0x10: {  	[smem:$0x3FB6] =	sst s8  }
0x11: {  	[smem:$0x3FB7] =	sst s9;
	s0 =	simm.s32 @!p0 $0x0  }
0x12: {  	s1 =	sld [smem:$0x3F9D];
	s0 =	simm.s32 @p0 $0x1  }
0x13: {  	[smem:$0x3FB8] =	sst s0;
	s0 =	simm.s32 @!p1 $0x0  }
0x14: {  	s2 =	sld [smem:$0x3F9C];
	s0 =	simm.s32 @p1 $0x1  }
0x15: {  	[smem:$0x3FB9] =	sst s0;
	s0 =	simm.s32 @!p2 $0x0  }
0x16: {  	s3 =	sld [smem:$0x3FDB];
	s0 =	simm.s32 @p2 $0x1  }
0x17: {  	s4 =	simm.s32 $0x1BF5;
	[smem:$0x3FBB] =	sst s0  }
0x18: {  	s0 =	sld [smem:$0x3F9E];
	_ =	swait.ge [sflag:s4], $0x0  }
0x19: {  	s7 =	sld [smem:$0x3F9F]  }
0x1a: {  	s8 =	sadd.s32 $0xFFFFE003, lr  }
0x1b: {  	s9 =	sadd.s32 $0xFFFFFEF7, lr;
	s5 =	simm.s32 $0xFFFFFFFF;
	p2 =	slt.u32 s8, $0xFFFFF086  }
0x1c: {  	p1 =	slt.u32 s9, $0xF7A;
	s5 =	simm.s32 @!p2 $0x0  }
0x1d: {  	s5 =	simm.s32 @p1 $0x1;
	p0 =	seq.s32 s7, s2  }
0x1e: {  	s7 =	smul.u32 @!p0 $0xF7A, s2;
	p2 =	seq.s32 @!p0 s5, $0x0  }
0x1f: {  	s9 =	smul.u32 $0xF7A, s1;
	s8 =	simm.s32 @!p0 $0x1BF5;
	p2 =	por !p2, p0  }
0x20: {  	[sflag:s8] =	ssyncset.s32 @!p0 $0xFFFFF086;
	s6 =	sadd.s32 @!p0 s3, s7;
	s7 =	simm.s32 @!p0 $0x108  }
0x21: {  	s3 =	sadd.s32 s3, s9;
	s6 =	sadd.s32 @!p0 $0x88, s6;
	s7 =	simm.s32 @p2 $0x1082  }
0x22: {  	[simem:s7], [sflag:s8] =	dma.local @!p0 [hbm:s6], $0xF7A  }
0x23: {  	s9 =	sor.u32 $0xD0000000, s2;
	s6 =	simm.s32 $0x108;
	_ =	swait.ge @!p0 [sflag:s8], $0x0  }
0x24: {  	s3 =	sadd.s32 $0x88, s3;
	s6 =	simm.s32 @!p1 $0x1082;
	[sflag:s4] =	ssyncset.s32 $0xFFFFF086  }
0x25: {  	[simem:s6], [sflag:s4] =	dma.local [hbm:s3], $0xF7A  }
0x26: {  	[smem:$0x3F9F] =	sst s1;
	(tag) =	ssettag s2;
	_ =	strace s9  }
0x27: {  	s1 =	sld [smem:$0x3FAF]  }
0x28: {  	s2 =	sld [smem:$0x3FB0]  }
0x29: {  	s4 =	sld [smem:$0x3FB2]  }
0x2a: {  	p0 =	seq.s32 s5, $0x0;
	s5 =	sld [smem:$0x3FB3]  }
0x2b: {  	s6 =	sld [smem:$0x3FB4]  }
0x2c: {  	s7 =	sld [smem:$0x3FB5]  }
0x2d: {  	s3 =	simm.s32 $0x108;
	s8 =	sld [smem:$0x3FB6]  }
0x2e: {  	s3 =	simm.s32 @!p0 $0x1082;
	s9 =	sld [smem:$0x3FB7]  }
0x2f: {  	lr =	sadd.s32 s0, s3;
	s0 =	sld [smem:$0x3FAE]  }
0x30: {  	s3 =	sld [smem:$0x3FB1]  }
0x31: {  	[smem:$0x3FBA] =	sst s10  }
0x32: {  	s10 =	sld [smem:$0x3FB8];
	_ =	sdelay $0x3  }
0x33: {  	p0 =	seq.s32 s10, $0x1;
	s10 =	sld [smem:$0x3FBA];
	_ =	sdelay $0x3  }
0x34: {  	[smem:$0x3FBA] =	sst s10  }
0x35: {  	s10 =	sld [smem:$0x3FB9];
	_ =	sdelay $0x3  }
0x36: {  	p1 =	seq.s32 s10, $0x1;
	s10 =	sld [smem:$0x3FBA];
	_ =	sdelay $0x3  }
0x37: {  	[smem:$0x3FBA] =	sst s10  }
0x38: {  	s10 =	sld [smem:$0x3FBB]  }
0x39: {  	_ = 	snop;
	(pc) =	sbr.ind lr, $3  }
0x3a: {  	_ = 	snop  }
0x3b: {  	_ = 	snop  }
0x3c: {  	p2 =	seq.s32 s10, $0x1;
	s10 =	sld [smem:$0x3FBA]  }
0x3d: {  	_ =	shalt  }
0x3e: {  	_ =	shalt  }
0x3f: {  	_ =	shalt  }
0x40: {  	_ =	shalt  }
0x41: {  	_ =	shalt  }
0x42: {  	_ =	shalt  }
0x43: {  	_ =	shalt  }
0x44: {  	_ =	shalt  }
0x45: {  	_ =	shalt  }
0x46: {  	_ =	shalt  }
0x47: {  	_ =	shalt  }
0x48: {  	_ =	shalt  }
0x49: {  	_ =	shalt  }
0x4a: {  	_ =	shalt  }
0x4b: {  	_ =	shalt  }
0x4c: {  	_ =	shalt  }
0x4d: {  	_ =	shalt  }
0x4e: {  	_ =	shalt  }
0x4f: {  	_ =	shalt  }
0x50: {  	_ =	shalt  }
0x51: {  	_ =	shalt  }
0x52: {  	_ =	shalt  }
0x53: {  	_ =	shalt  }
0x54: {  	_ =	shalt  }
0x55: {  	_ =	shalt  }
0x56: {  	_ =	shalt  }
0x57: {  	_ =	shalt  }
0x58: {  	_ =	shalt  }
0x59: {  	_ =	shalt  }
0x5a: {  	_ =	shalt  }
0x5b: {  	_ =	shalt  }
0x5c: {  	_ =	shalt  }
0x5d: {  	_ =	shalt  }
0x5e: {  	_ =	shalt  }
0x5f: {  	_ =	shalt  }
0x60: {  	_ =	shalt  }
0x61: {  	_ =	shalt  }
0x62: {  	_ =	shalt  }
0x63: {  	_ =	shalt  }
0x64: {  	_ =	shalt  }
0x65: {  	_ =	shalt  }
0x66: {  	_ =	shalt  }
0x67: {  	_ =	shalt  }
0x68: {  	_ =	shalt  }
0x69: {  	_ =	shalt  }
0x6a: {  	_ =	shalt  }
0x6b: {  	_ =	shalt  }
0x6c: {  	_ =	shalt  }
0x6d: {  	_ =	shalt  }
0x6e: {  	_ =	shalt  }
0x6f: {  	_ =	shalt  }
0x70: {  	_ =	shalt  }
0x71: {  	_ =	shalt  }
0x72: {  	_ =	shalt  }
0x73: {  	_ =	shalt  }
0x74: {  	_ =	shalt  }
0x75: {  	_ =	shalt  }
0x76: {  	_ =	shalt  }
0x77: {  	_ =	shalt  }
0x78: {  	_ =	shalt  }
0x79: {  	_ =	shalt  }
0x7a: {  	_ =	shalt  }
0x7b: {  	_ =	shalt  }
0x7c: {  	_ =	shalt  }
0x7d: {  	_ =	shalt  }
0x7e: {  	_ =	shalt  }
0x7f: {  	_ =	shalt  }
0x80: {  	_ =	shalt  }
0x81: {  	_ =	shalt  }
0x82: {  	_ =	shalt  }
0x83: {  	_ =	shalt  }
0x84: {  	_ =	shalt  }
0x85: {  	_ =	shalt  }
0x86: {  	_ =	shalt  }
0x87: {  	_ =	shalt  }
.Lfunc_end0:
.L_simem_size_0:
called_computation_lowered:
.L_overlay_start_0:
0x88: {  	s2 =	sld [smem:$0x3FD9]  }
0x89: {  	s3 =	sld [smem:$0x3FFE];
	_ =	sdelay $0x1  }
0x8a: {  	s1 =	srdreg.scid  }
0x8b: {  	s0 =	sand.u32 $0x1, s1  }
0x8c: {  	s17 =	sshll.u32 s0, $0xA;
	s2 =	sadd.s32 s3, s2  }
0x8d: {  	s2 =	sadd.s32 s2, s17  }
0x8e: {  	[smem:$0x3FC6] =	sst s2  }
0x8f: {  	_ = 	snop  }
0x90: {  	s2 =	sld [smem:$0x3FD0];
	(tm) =	ssettm $0x1  }
0x91: {  	s18 =	sld [smem:$0x3FFB];
	_ =	sdelay $0x3  }
0x92: {  	_ =	strace s18  }
0x93: {  	s3 =	sld [smem:$0x3FFC];
	_ =	sdelay $0x3  }
0x94: {  	_ =	strace s3  }
0x95: {  	s3 =	sld [smem:$0x3FFD];
	_ =	sdelay $0x3  }
0x96: {  	_ =	strace s3  }
0x97: {  	_ =	strace $0x8FFFFFFF  }
0x98: {  	s19 =	sld [smem:$0x3FDB];
	_ =	sdelay $0x1  }
0x99: {  	s4 =	simm.s32 $_scs_section_size  }
0x9a: {  	s5 =	simm.s32 $_size__tile_overlayer_lowered;
	s6 =	simm.s32 $_tile_overlayer_lowered  }
0x9b: {  	s22 =	simm.s32 $0x1BFF;
	s21 =	sshll.u32 s6, $0x1;
	s3 =	sadd.s32 s4, s19  }
0x9c: {  	s7 =	simm.s32 $0x0;
	s20 =	sshll.u32 s5, $0x1;
	s5 =	sadd.s32 s21, s3  }
0x9d: {  	[timem:s7], [sflag:s22] =	dma.local [hbm:s5], s20  }
0x9e: {  	_ =	swait.ge [sflag:s22], s20  }
0x9f: {  	s4 =	ssub.s32 $0x0, s20;
	[sflag:s22] =	ssyncset.done $0x0  }
0xa0: {  	[sflag:s22] =	ssyncadd.s32 s4;
	_ =	sdelay $0x1  }
0xa1: {  	s23 =	simm.s32 $0x1B8B  }
0xa2: {  	_ =	swait.ge [sflag:s23], $0x1  }
0xa3: {  	[sflag:s23] =	ssyncset.done $0x0  }
0xa4: {  	s25 =	simm.s32 $0x1B8E;
	s24 =	sld [smem:$0x3FFE];
	[sflag:s23] =	ssyncadd.s32 $0xFFFFFFFF  }
0xa5: {  	s26 =	simm.s32 $execute0_lowered;
	[smem:$0x3FD2] =	sst s25  }
0xa6: {  	s5 =	sshll.u32 s26, $0x1;
	_ =	strace $0x80000046;
	[dreg:$0x1] =	wrdreg $0xFFFFFFFF  }
0xa7: {  	s28 =	simm.s32 $_size_execute0_lowered;
	s3 =	sadd.s32 s3, s5;
	[dreg:$0x0] =	wrdreg $0x0  }
0xa8: {  	s5 =	sshll.u32 s28, $0x1;
	[dreg:$0x2] =	wrdreg s3  }
0xa9: {  	[dreg:$0x3] =	wrdreg s5  }
0xaa: {  	[dreg:$0x4] =	wrdreg $0xC0  }
0xab: {  	_ =	task [dreg:s7], $0x5FFFF  }
0xac: {  	[dreg:$0x1] =	wrdreg $0xFFFFFFFF  }
0xad: {  	[dreg:$0x0] =	wrdreg $0x60  }
0xae: {  	[dreg:$0x2] =	wrdreg s24  }
0xaf: {  	[dreg:$0x3] =	wrdreg s2  }
0xb0: {  	[dreg:$0x4] =	wrdreg $0x9  }
0xb1: {  	_ =	task.clear_ibuf [dreg:s7], $0x5FFFF;
	_ =	strace $0x90000046  }
0xb2: {  	s29 =	simm.s32 $0x9;
	_ =	strace $0x80000048  }
0xb3: {  	_ =	swait.ge [sflag:s29], $0x1  }
0xb4: {  	[sflag:s29] =	ssyncadd.s32 $0xFFFFFFFF  }
0xb5: {  	_ =	strace $0x90000048  }
0xb6: {  	_ =	sfence  }
0xb7: {  	s30 =	sld [smem:$0x0];
	_ =	sdelay $0x2  }
0xb8: {  	s31 =	sshll.u32 s1, $0xD;
	s1 =	sshrl.u32 s1, $0x2  }
0xb9: {  	s3 =	sand.u32 $0x4000, s31;
	s1 =	sadd.s32 s1, s30  }
0xba: {  	s0 =	sor.u32 s3, s0;
	s1 =	sshll.u32 s1, $0x11  }
0xbb: {  	s0 =	sor.u32 s1, s0  }
0xbc: {  	s0 =	sadd.s32 $0x8F2B, s0  }
0xbd: {  	[sflag:s0] =	ssyncadd.remote.s32 $0x1  }
0xbe: {  	_ =	sfence.sel $0xFFFF  }
0xbf: {  	[dreg:$0x0] =	wrdreg $0xFFFFFFFF;
	(pc) =	sbr.abs _section_cstart, $3  }
0xc0: {  	[dreg:$0x1] =	wrdreg $0xFFFFFFFF  }
0xc1: {  	_ =	task.clear_ibuf [dreg:s7], $0x2FFFF;
	_ =	strace $0x9FFFFFFF  }
0xc2: {  	(tm) =	ssettm $0x7FFFFFFF  }
0xc3: {  	_ =	shalt  }
tec
execute0_lowered:
.L_overlay_start_1:
0x0: {  	(tag) =	ssettag $0x1  }
0x1: {  	s1 =	rddreg [dreg:$0x0]  }
0x2: {  	s5 =	rddreg [dreg:$0x1]  }
0x3: {  	s3 =	srdreg.scid;
	s0 =	rddreg [dreg:$0x2];
	s2 =	simm.s32 $0x0  }
0x4: {  	s10 =	simm.s32 $0x80;
	s11 =	simm.s32 $0x1;
	s12 =	simm.s32 $0x2200  }
0x5: {  	s13 =	simm.s32 $0x0;
	s6 =	sand.u32 $0x1, s3;
	[smem:$0x7FF] =	sst s2  }
0x6: {  	s4 =	sadd.s32 $0x62400, s1;
	s3 =	sshll.u32 s6, $0x6;
	_ =	strace $0x80000047  }
0x7: {  	s8 =	ssub.s32 $0x2, s6;
	s6 =	sshll.u32 s6, $0xA;
	s7 =	sadd.s32 s3, s1  }
0x8: {  	s3 =	stileid.u32;
	s9 =	sshrl.u32 s8, $0x1;
	s6 =	sadd.s32 s5, s6  }
0x9: {  	s8 =	ssub.s32 s8, s9;
	s30 =	sshll.u32 s3, $0x7;
	s31 =	sshll.u32 s3, $0xB  }
0xa: {  	s9 =	simm.s32 $0x2;
	s7 =	sadd.s32 s30, s7;
	s6 =	sadd.s32 s31, s6  }
0xb: {  	s5 =	sadd.s32 $0x61C00, s7;
	s7 =	smax.u32 s8, $0x1;
	s8 =	simm.s32 $0x4200  }
.LBB2_1:
0xc: {  	[tilespmem:s8], [sflag:$0x2] =	stream.linear.gather [hbm4b:s4+s2], $0x80, $0x38;
	[tilespmem:$0x4280] =	vst v63  }
0xd: {  	s14 =	simm.s32 $0x0;
	_ =	swait.ge [sflag:s9], $0x80  }
0xe: {  	s15 =	sand.u32 $0x78, s2;
	s14 =	sand.u32 $0xFFFFFF80, s14;
	[sflag:s9] =	ssyncset.done $0x0  }
0xf: {  	s15 =	sor.u32 s15, s14;
	[sflag:s9] =	ssyncadd.s32 $0xFFFFFF80  }
0x10: {  	v1 =	vmov s15;
	[tilespmem:s2], [sflag:$0x2] =	stream.linear.gather [hbm4b:s5+s2], $0x200, $0x38;
	[tilespmem:$0x4280] =	vst v63  }
0x11: {  	_ =	swait.ge [sflag:s9], $0x200  }
0x12: {  	[sflag:s9] =	ssyncset.done $0x0  }
0x13: {  	[sflag:s9] =	ssyncadd.s32 $0xFFFFFE00  }
0x14: {  	v0 =	vld [tilespmem:$0x4200]  }
0x15: {  	v1 =	vld.idx.msk [tilespmem:v1+s2+$0x0], $0xffff  }
0x16: {  	s14 =	sor.u32 $0x1, s15  }
0x17: {  	v2 =	vmov s14;
	_ =	sdelay $0x2  }
0x18: {  	s14 =	simm.s32 $0x200;
	v1 =	vadd.s32 v0, v1  }
0x19: {  	[tilespmem:s14+$0x0] =	vst v1  }
0x1a: {  	v1 =	vld.idx.msk [tilespmem:v2+s2+$0x0], $0xffff  }
0x1b: {  	s16 =	sor.u32 $0x2, s15  }
0x1c: {  	v2 =	vmov s16;
	_ =	sdelay $0x2  }
0x1d: {  	v1 =	vadd.s32 v0, v1  }
0x1e: {  	[tilespmem:s14+$0x10] =	vst v1  }
0x1f: {  	v1 =	vld.idx.msk [tilespmem:v2+s2+$0x0], $0xffff  }
0x20: {  	s24 =	sor.u32 $0x3, s15  }
0x21: {  	v2 =	vmov s24;
	_ =	sdelay $0x2  }
0x22: {  	v1 =	vadd.s32 v0, v1  }
0x23: {  	[tilespmem:s14+$0x20] =	vst v1  }
0x24: {  	v1 =	vld.idx.msk [tilespmem:v2+s2+$0x0], $0xffff  }
0x25: {  	s25 =	sor.u32 $0x4, s15  }
0x26: {  	v2 =	vmov s25;
	_ =	sdelay $0x2  }
0x27: {  	v1 =	vadd.s32 v0, v1  }
0x28: {  	[tilespmem:s14+$0x30] =	vst v1  }
0x29: {  	v1 =	vld.idx.msk [tilespmem:v2+s2+$0x0], $0xffff  }
0x2a: {  	s26 =	sor.u32 $0x5, s15  }
0x2b: {  	v2 =	vmov s26;
	_ =	sdelay $0x2  }
0x2c: {  	v1 =	vadd.s32 v0, v1  }
0x2d: {  	[tilespmem:s14+$0x40] =	vst v1  }
0x2e: {  	v1 =	vld.idx.msk [tilespmem:v2+s2+$0x0], $0xffff  }
0x2f: {  	s29 =	sor.u32 $0x6, s15  }
0x30: {  	v2 =	vmov s29;
	_ =	sdelay $0x2  }
0x31: {  	v1 =	vadd.s32 v0, v1  }
0x32: {  	[tilespmem:s14+$0x50] =	vst v1  }
0x33: {  	v1 =	vld.idx.msk [tilespmem:v2+s2+$0x0], $0xffff  }
0x34: {  	s15 =	sor.u32 $0x7, s15  }
0x35: {  	v2 =	vmov s15;
	_ =	sdelay $0x2  }
0x36: {  	v1 =	vadd.s32 v0, v1  }
0x37: {  	[tilespmem:s14+$0x60] =	vst v1  }
0x38: {  	v1 =	vld.idx.msk [tilespmem:v2+s2+$0x0], $0xffff;
	_ =	sdelay $0x1  }
0x39: {  	s30 =	simm.s32 $0x8;
	s17 =	simm.s32 $0x8  }
0x3a: {  	s31 =	sand.u32 $0x78, s17;
	s15 =	sand.u32 $0xFFFFFF80, s30  }
0x3b: {  	s15 =	sor.u32 s31, s15  }
0x3c: {  	s18 =	simm.s32 $0x2;
	s20 =	simm.s32 $0x2200;
	v2 =	vadd.s32 v0, v1;
	v1 =	vmov s15  }
0x3d: {  	s16 =	simm.s32 $0x280;
	s28 =	sor.u32 $0x1, s15;
	s26 =	sor.u32 $0x2, s15  }
0x3e: {  	s25 =	sor.u32 $0x3, s15;
	s24 =	sor.u32 $0x4, s15;
	s22 =	sor.u32 $0x5, s15  }
0x3f: {  	s21 =	sor.u32 $0x6, s15;
	s19 =	sor.u32 $0x7, s15;
	s15 =	simm.s32 $0x2280;
	[tilespmem:s14+$0x70] =	vst v2  }
.LBB2_2:
0x40: {  	[tilespmem:s20], [sflag:$0x1] =	stream.indirect.gather [hbm4b:s1+s10], $0x1, s14, s10, $0xb8;
	[tilespmem:$0x4280] =	vst v63  }
0x41: {  	p0 =	sne.s32 s18, $0x3F;
	s23 =	smov.u32 s18;
	s18 =	sadd.s32 $0x1, s18;
	v1 =	vld.idx.msk [tilespmem:v1+s2+$0x0], $0xffff  }
0x42: {  	s20 =	smov.u32 s15;
	s14 =	smov.u32 s16;
	_ =	sdelay $0x1  }
0x43: {  	v2 =	vmov s28;
	_ =	sdelay $0x2  }
0x44: {  	v1 =	vadd.s32 v0, v1  }
0x45: {  	[tilespmem:s16+$0x0] =	vst v1  }
0x46: {  	v1 =	vld.idx.msk [tilespmem:v2+s2+$0x0], $0xffff;
	_ =	sdelay $0x2  }
0x47: {  	v2 =	vmov s26;
	_ =	sdelay $0x2  }
0x48: {  	v1 =	vadd.s32 v0, v1  }
0x49: {  	[tilespmem:s16+$0x10] =	vst v1  }
0x4a: {  	v1 =	vld.idx.msk [tilespmem:v2+s2+$0x0], $0xffff;
	_ =	sdelay $0x2  }
0x4b: {  	v2 =	vmov s25;
	_ =	sdelay $0x2  }
0x4c: {  	v1 =	vadd.s32 v0, v1  }
0x4d: {  	[tilespmem:s16+$0x20] =	vst v1  }
0x4e: {  	v1 =	vld.idx.msk [tilespmem:v2+s2+$0x0], $0xffff;
	_ =	sdelay $0x2  }
0x4f: {  	v2 =	vmov s24;
	_ =	sdelay $0x2  }
0x50: {  	v1 =	vadd.s32 v0, v1  }
0x51: {  	[tilespmem:s16+$0x30] =	vst v1  }
0x52: {  	v1 =	vld.idx.msk [tilespmem:v2+s2+$0x0], $0xffff;
	_ =	sdelay $0x2  }
0x53: {  	v2 =	vmov s22;
	_ =	sdelay $0x2  }
0x54: {  	v1 =	vadd.s32 v0, v1  }
0x55: {  	[tilespmem:s16+$0x40] =	vst v1  }
0x56: {  	v1 =	vld.idx.msk [tilespmem:v2+s2+$0x0], $0xffff;
	_ =	sdelay $0x2  }
0x57: {  	v2 =	vmov s21;
	_ =	sdelay $0x2  }
0x58: {  	v1 =	vadd.s32 v0, v1  }
0x59: {  	[tilespmem:s16+$0x50] =	vst v1  }
0x5a: {  	v1 =	vld.idx.msk [tilespmem:v2+s2+$0x0], $0xffff;
	_ =	sdelay $0x2  }
0x5b: {  	v2 =	vmov s19;
	_ =	sdelay $0x2  }
0x5c: {  	v1 =	vadd.s32 v0, v1  }
0x5d: {  	[tilespmem:s16+$0x60] =	vst v1  }
0x5e: {  	v2 =	vld.idx.msk [tilespmem:v2+s2+$0x0], $0xffff  }
0x5f: {  	s17 =	sadd.s32 $0x8, s17;
	s19 =	sshll.u32 s23, $0x3  }
0x60: {  	s21 =	sand.u32 $0x78, s17;
	s19 =	sand.u32 $0xFFFFFF80, s19  }
.Ltmp0:
0x61: {  	s19 =	sor.u32 s21, s19;
	(pc) =	sbr.rel @p0 .LBB2_2-.Ltmp0, $4  }
0x62: {  	s28 =	sor.u32 $0x1, s19;
	s26 =	sor.u32 $0x2, s19;
	s25 =	sor.u32 $0x3, s19;
	v1 =	vmov s19  }
0x63: {  	s24 =	sor.u32 $0x4, s19;
	s22 =	sor.u32 $0x5, s19;
	s21 =	sor.u32 $0x6, s19  }
0x64: {  	s19 =	sor.u32 $0x7, s19;
	v2 =	vadd.s32 v0, v2  }
0x65: {  	s15 =	sadd.s32 $0x80, s15;
	s16 =	sadd.s32 $0x80, s16;
	[tilespmem:s14+$0x70] =	vst v2  }
0x66: {  	_ =	sdelay $0x2  }
0x67: {  	[tilespmem:s20], [sflag:$0x1] =	stream.indirect.gather [hbm4b:s1+s10], $0x1, s14, s10, $0xb8;
	[tilespmem:$0x4280] =	vst v63  }
0x68: {  	v1 =	vld.idx.msk [tilespmem:v1+s2+$0x0], $0xffff;
	_ =	sdelay $0x1  }
0x69: {  	v2 =	vmov s28;
	_ =	sdelay $0x2  }
0x6a: {  	v1 =	vadd.s32 v0, v1  }
0x6b: {  	[tilespmem:s16+$0x0] =	vst v1  }
0x6c: {  	v1 =	vld.idx.msk [tilespmem:v2+s2+$0x0], $0xffff;
	_ =	sdelay $0x1  }
0x6d: {  	v57 =	vmov s26;
	_ =	sdelay $0x2  }
0x6e: {  	v1 =	vadd.s32 v0, v1  }
0x6f: {  	[tilespmem:s16+$0x10] =	vst v1  }
0x70: {  	v1 =	vld.idx.msk [tilespmem:v57+s2+$0x0], $0xffff;
	_ =	sdelay $0x1  }
0x71: {  	v58 =	vmov s25;
	_ =	sdelay $0x2  }
0x72: {  	v1 =	vadd.s32 v0, v1  }
0x73: {  	[tilespmem:s16+$0x20] =	vst v1  }
0x74: {  	v1 =	vld.idx.msk [tilespmem:v58+s2+$0x0], $0xffff;
	_ =	sdelay $0x1  }
0x75: {  	v59 =	vmov s24;
	_ =	sdelay $0x2  }
0x76: {  	v1 =	vadd.s32 v0, v1  }
0x77: {  	[tilespmem:s16+$0x30] =	vst v1  }
0x78: {  	v1 =	vld.idx.msk [tilespmem:v59+s2+$0x0], $0xffff;
	_ =	sdelay $0x1  }
0x79: {  	v60 =	vmov s22;
	_ =	sdelay $0x2  }
0x7a: {  	v1 =	vadd.s32 v0, v1  }
0x7b: {  	[tilespmem:s16+$0x40] =	vst v1  }
0x7c: {  	v1 =	vld.idx.msk [tilespmem:v60+s2+$0x0], $0xffff;
	_ =	sdelay $0x1  }
0x7d: {  	v61 =	vmov s21;
	_ =	sdelay $0x2  }
0x7e: {  	v1 =	vadd.s32 v0, v1  }
0x7f: {  	[tilespmem:s16+$0x50] =	vst v1  }
0x80: {  	v1 =	vld.idx.msk [tilespmem:v61+s2+$0x0], $0xffff;
	_ =	sdelay $0x1  }
0x81: {  	v62 =	vmov s19;
	_ =	sdelay $0x2  }
0x82: {  	v1 =	vadd.s32 v0, v1  }
0x83: {  	[tilespmem:s16+$0x60] =	vst v1  }
0x84: {  	v1 =	vld.idx.msk [tilespmem:v62+s2+$0x0], $0xffff;
	_ =	sdelay $0x4  }
0x85: {  	v63 =	vadd.s32 v0, v1  }
0x86: {  	[tilespmem:s16+$0x70] =	vst v63  }
0x87: {  	[tilespmem:s15], [sflag:$0x1] =	stream.indirect.gather [hbm4b:s1+s10], $0x1, s16, s10, $0xb8;
	[tilespmem:$0x4280] =	vst v63  }
0x88: {  	_ =	swait.ge [sflag:s11], $0x80  }
0x89: {  	s14 =	simm.s32 $0x3F;
	[sflag:s11] =	ssyncset.done $0x0  }
.LBB2_4:
0x8a: {  	p0 =	sne.s32 s14, $0x1;
	s14 =	sadd.s32 $0xFFFFFFFF, s14;
	[sflag:s11] =	ssyncadd.s32 $0xFFFFFF80  }
.Ltmp1:
0x8b: {  	(pc) =	sbr.rel @p0 .LBB2_4-.Ltmp1, $3  }
0x8c: {  	_ =	sdelay $0x1  }
0x8d: {  	_ =	swait.ge [sflag:s11], $0x80  }
0x8e: {  	[sflag:s11] =	ssyncset.done $0x0  }
0x8f: {  	s13 =	sadd.s32 $0x1, s13  }
0x90: {  	p0 =	sne.s32 s13, s7  }
.Ltmp2:
0x91: {  	[sflag:s11] =	ssyncadd.s32 $0xFFFFFF80;
	(pc) =	sbr.rel @p0 .LBB2_1-.Ltmp2, $4  }
0x92: {  	[hbm4b:s6+s2] =	stream.linear.scatter [tilespmem:s12], [sflag:$0x2], $0x2000, $0x38;
	[tilespmem:$0x4280] =	vst v63  }
0x93: {  	_ =	swait.ge [sflag:s9], $0x2000  }
0x94: {  	[sflag:s9] =	ssyncset.done $0x0  }
0x95: {  	[sflag:s9] =	ssyncadd.s32 $0xFFFFE000  }
0x96: {  	_ =	sfence.sel $0x180000  }
0x97: {  	[bflag:$0x0] =	sbarrier.arrive $0xFFFF  }
0x98: {  	p0 =	sne.s32 s3, $0x0;
	_ =	strace $0x90000047  }
0x99: {  	s0 =	sadd.s32 @!p0 $0x100000, s0;
	[bflag:$0x2] =	sbarrier.arrive $0xFFFF  }
0x9a: {  	[sflag:s0] =	ssyncadd.tile.s32 @!p0 $0x1;
	_ =	shalt  }
.Lfunc_end2:
_tile_overlayer_lowered:
.L_overlay_start_2:
0x9b: {  	(tag) =	ssettag $0x2  }
0x9c: {  	s0 =	rddreg [dreg:$0x0];
	s2 =	stileid.u32  }
0x9d: {  	s1 =	rddreg [dreg:$0x1];
	p0 =	sne.s32 s2, $0x0  }
0x9e: {  	s3 =	rddreg [dreg:$0x2];
	[bflag:$0x3] =	sbarrier.arrive $0xFFFF;
	s2 =	simm.s32 @!p0 $0x1C02  }
0x9f: {  	[timem:s3], [sflag:s2] =	dma.local @!p0 [hbm:s0], s1  }
0xa0: {  	s0 =	simm.s32 @!p0 $0x2  }
0xa1: {  	_ =	swait.ge @!p0 [sflag:s0], s1  }
0xa2: {  	s1 =	ssub.s32 @!p0 $0x0, s1;
	[sflag:s0] =	ssyncset.done @!p0 $0x0  }
0xa3: {  	[sflag:s0] =	ssyncadd.s32 @!p0 s1  }
0xa4: {  	[bflag:$0x3] =	sbarrier.arrive $0xFFFF  }
0xa5: {  	_ =	shalt  }

</sc_bundles>
